<compile_context>
chip_gen: v7x
topology: tpu7x:2x2x1
jax: 0.10.2.dev20260603
libtpu: 0.0.44.dev20260713+nightly
codegen_flags: <defaults>
</compile_context>

<pallas_src>
import functools

import jax
import jax.numpy as jnp
from jax import lax
from jax.experimental import pallas as pl
from jax.experimental.pallas import tpu as pltpu
from jax.experimental.pallas import tpu_sc as plsc

NUM_ITEMS = 1000000
EMB = 64
BATCH = 4096
HIST = 200
NW = 32
ROWS_W = BATCH // NW
PER_W = ROWS_W * HIST
NBUF = 4


def _emb_body(idx_hbm, tab_hbm, out_hbm, idx_v, rows_v,
              sg0, sg1, sg2, sg3, ss0, ss1, ss2, ss3):
    wid = lax.axis_index("s") * 2 + lax.axis_index("c")
    base = wid * ROWS_W

    pltpu.sync_copy(idx_hbm.at[wid], idx_v)

    sg = (sg0, sg1, sg2, sg3)
    ss = (ss0, ss1, ss2, ss3)

    def start_gather(i, b):
        pltpu.async_copy(
            tab_hbm.at[idx_v.at[pl.ds(i * HIST, HIST)]], rows_v.at[b], sg[b])

    def wait_gather(i, b):
        pltpu.make_async_copy(
            tab_hbm.at[idx_v.at[pl.ds(i * HIST, HIST)]], rows_v.at[b],
            sg[b]).wait()

    def start_store(i, b):
        pltpu.async_copy(rows_v.at[b], out_hbm.at[base + i], ss[b])

    def wait_store(i, b):
        pltpu.make_async_copy(rows_v.at[b], out_hbm.at[base + i],
                              ss[b]).wait()

    for k in range(NBUF - 1):
        start_gather(k, k)

    @pl.loop(0, ROWS_W // NBUF)
    def _(p):
        for k in range(NBUF):
            i = p * NBUF + k

            @pl.when(i >= 1)
            def _():
                wait_store(i - 1, (k - 1) % NBUF)

            @pl.when(i + NBUF - 1 < ROWS_W)
            def _():
                start_gather(i + NBUF - 1, (k + NBUF - 1) % NBUF)
            wait_gather(i, k)
            start_store(i, k)

    wait_store(ROWS_W - 1, (ROWS_W - 1) % NBUF)


@jax.jit
def _emb_lookup(idx32, tab128):
    mesh = plsc.VectorSubcoreMesh(core_axis_name="c", subcore_axis_name="s")
    f = functools.partial(
        pl.kernel,
        out_type=jax.ShapeDtypeStruct((BATCH, HIST, 128), jnp.float32),
        mesh=mesh,
        compiler_params=pltpu.CompilerParams(use_tc_tiling_on_sc=True),
        scratch_types=[
            pltpu.VMEM((PER_W,), jnp.int32),
            pltpu.VMEM((NBUF, HIST, 128), jnp.float32),
            pltpu.SemaphoreType.DMA,
            pltpu.SemaphoreType.DMA,
            pltpu.SemaphoreType.DMA,
            pltpu.SemaphoreType.DMA,
            pltpu.SemaphoreType.DMA,
            pltpu.SemaphoreType.DMA,
            pltpu.SemaphoreType.DMA,
            pltpu.SemaphoreType.DMA,
        ],
    )(_emb_body)
    return f(idx32, tab128)


def kernel(input_seqs, item_emb):
    tab128 = jnp.pad(item_emb, ((0, 0), (0, 128 - EMB)))
    idx32 = input_seqs.reshape(NW, PER_W)
    return _emb_lookup(idx32, tab128)[..., :EMB]

# --- scband reference (transcript-rebuilt; emitter-appended) ---
"""Pipeline reference for scband-item-embedding-38860864094668 (READ-ONLY COPY).

The authoritative reference and input builder live on the scoring server;
editing this copy changes nothing except your own understanding.
"""

import jax, jax.numpy as jnp
import numpy as np

NUM_ITEMS = 1000000
EMB_SIZE = 64
BATCH = 4096
HIST_LEN = 200

def setup_inputs(seed: int = 0) -> dict:
    key = jax.random.key(seed)
    k_idx, k_tab = jax.random.split(key)
    input_seqs = jax.random.randint(k_idx, (BATCH, HIST_LEN), 0, NUM_ITEMS, dtype=jnp.int64 if jax.config.jax_enable_x64 else jnp.int32)
    item_emb = jax.random.normal(k_tab, (NUM_ITEMS, EMB_SIZE), dtype=jnp.float32)
    return {"input_seqs": input_seqs, "item_emb": item_emb}

def reference(input_seqs, item_emb):
    # torch.nn.Embedding forward: table row gather
    return jnp.take(item_emb, input_seqs, axis=0)

if __name__ == "__main__":
    import jax
    _d = setup_inputs()
    print(jax.jit(kernel)(*tuple(_d.values())))

</pallas_src>

<mosaic_0001>
#map = affine_map<(d0, d1) -> (0, 0)>
#map1 = affine_map<(d0, d1) -> (0, 0, 0)>
module attributes {stable_mosaic.version = 14 : i64} {
  func.func @_emb_body(%arg0: i32, %arg1: i32, %arg2: memref<32x25600xi32, #tpu.memory_space<hbm>>, %arg3: memref<1000000x128xf32, #tpu.memory_space<hbm>>, %arg4: memref<4096x200x128xf32, #tpu.memory_space<hbm>>, %arg5: memref<25600xi32, #tpu.memory_space<vmem>>, %arg6: memref<4x200x128xf32, #tpu.memory_space<vmem>>, %arg7: memref<!tpu.dma_semaphore, #tpu.memory_space<semaphore_mem>>, %arg8: memref<!tpu.dma_semaphore, #tpu.memory_space<semaphore_mem>>, %arg9: memref<!tpu.dma_semaphore, #tpu.memory_space<semaphore_mem>>, %arg10: memref<!tpu.dma_semaphore, #tpu.memory_space<semaphore_mem>>, %arg11: memref<!tpu.dma_semaphore, #tpu.memory_space<semaphore_mem>>, %arg12: memref<!tpu.dma_semaphore, #tpu.memory_space<semaphore_mem>>, %arg13: memref<!tpu.dma_semaphore, #tpu.memory_space<semaphore_mem>>, %arg14: memref<!tpu.dma_semaphore, #tpu.memory_space<semaphore_mem>>) attributes {dimension_semantics = [#tpu.dimension_semantics<core_parallel>, #tpu.dimension_semantics<subcore_parallel>], iteration_bounds = array<i64: 2, 16>, scalar_prefetch = 0 : i64, scratch_operands = 10 : i64, tpu.core_type = #tpu.core_type<sc_vector_subcore>, window_params = [{transform_indices = #map}, {transform_indices = #map}, {transform_indices = #map1}]} {
    %mul3A = arith.constant 2 : i32
    %mul3A_0 = arith.muli %arg1, %mul3A : i32
    %add3A = arith.addi %mul3A_0, %arg0 : i32
    %mul3A_1 = arith.constant 128 : i32
    %mul3A_2 = arith.muli %add3A, %mul3A_1 : i32
    "tpu.region"() ({
      %run_scoped3A = tpu.sem_alloc : memref<!tpu.dma_semaphore, #tpu.memory_space<semaphore_mem>>
      %dma_start3A_54 = arith.constant 0 : i32
      %dma_start3A_55 = tpu.memref_slice %arg2[%add3A, %dma_start3A_54] : memref<32x25600xi32, #tpu.memory_space<hbm>> -> memref<1x25600xi32, #tpu.memory_space<hbm>>
      %dma_start3A_56 = tpu.memref_squeeze %dma_start3A_55 : memref<1x25600xi32, #tpu.memory_space<hbm>> -> memref<25600xi32, #tpu.memory_space<hbm>>
      %dma_start3A_57 = arith.constant 0 : i32
      %dma_start3A_58 = tpu.memref_slice %arg2[%add3A, %dma_start3A_57] : memref<32x25600xi32, #tpu.memory_space<hbm>> -> memref<1x25600xi32, #tpu.memory_space<hbm>>
      %dma_start3A_59 = tpu.memref_squeeze %dma_start3A_58 : memref<1x25600xi32, #tpu.memory_space<hbm>> -> memref<25600xi32, #tpu.memory_space<hbm>>
      tpu.enqueue_dma source(%dma_start3A_59 : memref<25600xi32, #tpu.memory_space<hbm>>) target(%arg5 : memref<25600xi32, #tpu.memory_space<vmem>>) target_semaphore(%run_scoped3A : memref<!tpu.dma_semaphore, #tpu.memory_space<semaphore_mem>>)
      %dma_wait3A_60 = arith.constant 0 : i32
      %dma_wait3A_61 = tpu.memref_slice %arg2[%add3A, %dma_wait3A_60] : memref<32x25600xi32, #tpu.memory_space<hbm>> -> memref<1x25600xi32, #tpu.memory_space<hbm>>
      %dma_wait3A_62 = tpu.memref_squeeze %dma_wait3A_61 : memref<1x25600xi32, #tpu.memory_space<hbm>> -> memref<25600xi32, #tpu.memory_space<hbm>>
      %dma_wait3A_63 = arith.constant 0 : i32
      %dma_wait3A_64 = tpu.memref_slice %arg2[%add3A, %dma_wait3A_63] : memref<32x25600xi32, #tpu.memory_space<hbm>> -> memref<1x25600xi32, #tpu.memory_space<hbm>>
      %dma_wait3A_65 = tpu.memref_squeeze %dma_wait3A_64 : memref<1x25600xi32, #tpu.memory_space<hbm>> -> memref<25600xi32, #tpu.memory_space<hbm>>
      tpu.wait_dma2 semaphore(%run_scoped3A : memref<!tpu.dma_semaphore, #tpu.memory_space<semaphore_mem>>) src(%dma_wait3A_65 : memref<25600xi32, #tpu.memory_space<hbm>>) dst(%arg5 : memref<25600xi32, #tpu.memory_space<vmem>>)
      tpu.yield
    }) : () -> ()
    %dma_start3A = arith.constant 0 : i32
    %dma_start3A_3 = arith.constant 0 : i32
    %dma_start3A_4 = arith.constant 0 : i32
    %dma_start3A_5 = tpu.memref_slice %arg6[%dma_start3A, %dma_start3A_3, %dma_start3A_4] : memref<4x200x128xf32, #tpu.memory_space<vmem>> -> memref<1x200x128xf32, #tpu.memory_space<vmem>>
    %dma_start3A_6 = tpu.memref_squeeze %dma_start3A_5 : memref<1x200x128xf32, #tpu.memory_space<vmem>> -> memref<200x128xf32, #tpu.memory_space<vmem>>
    %dma_start3A_7 = arith.constant 0 : i32
    %dma_start3A_8 = tpu.memref_slice %arg5[%dma_start3A_7] : memref<25600xi32, #tpu.memory_space<vmem>> -> memref<200xi32, #tpu.memory_space<vmem>>
    %dma_start3A_9 = arith.constant 0 : i32
    %dma_start3A_10 = arith.constant 0 : i32
    %dma_start3A_11 = tpu.memref_slice %arg3[%dma_start3A_9, %dma_start3A_10] : memref<1000000x128xf32, #tpu.memory_space<hbm>> -> memref<1000000x128xf32, #tpu.memory_space<hbm>>
    tpu.enqueue_indirect_dma source(%dma_start3A_11 : memref<1000000x128xf32, #tpu.memory_space<hbm>>) target(%dma_start3A_6 : memref<200x128xf32, #tpu.memory_space<vmem>>) offsets(%dma_start3A_8 : memref<200xi32, #tpu.memory_space<vmem>>) semaphore(%arg7 : memref<!tpu.dma_semaphore, #tpu.memory_space<semaphore_mem>>)
    %dma_start3A_12 = arith.constant 1 : i32
    %dma_start3A_13 = arith.constant 0 : i32
    %dma_start3A_14 = arith.constant 0 : i32
    %dma_start3A_15 = tpu.memref_slice %arg6[%dma_start3A_12, %dma_start3A_13, %dma_start3A_14] : memref<4x200x128xf32, #tpu.memory_space<vmem>> -> memref<1x200x128xf32, #tpu.memory_space<vmem>>
    %dma_start3A_16 = tpu.memref_squeeze %dma_start3A_15 : memref<1x200x128xf32, #tpu.memory_space<vmem>> -> memref<200x128xf32, #tpu.memory_space<vmem>>
    %dma_start3A_17 = arith.constant 200 : i32
    %dma_start3A_18 = tpu.memref_slice %arg5[%dma_start3A_17] : memref<25600xi32, #tpu.memory_space<vmem>> -> memref<200xi32, #tpu.memory_space<vmem>>
    %dma_start3A_19 = arith.constant 0 : i32
    %dma_start3A_20 = arith.constant 0 : i32
    %dma_start3A_21 = tpu.memref_slice %arg3[%dma_start3A_19, %dma_start3A_20] : memref<1000000x128xf32, #tpu.memory_space<hbm>> -> memref<1000000x128xf32, #tpu.memory_space<hbm>>
    tpu.enqueue_indirect_dma source(%dma_start3A_21 : memref<1000000x128xf32, #tpu.memory_space<hbm>>) target(%dma_start3A_16 : memref<200x128xf32, #tpu.memory_space<vmem>>) offsets(%dma_start3A_18 : memref<200xi32, #tpu.memory_space<vmem>>) semaphore(%arg8 : memref<!tpu.dma_semaphore, #tpu.memory_space<semaphore_mem>>)
    %dma_start3A_22 = arith.constant 2 : i32
    %dma_start3A_23 = arith.constant 0 : i32
    %dma_start3A_24 = arith.constant 0 : i32
    %dma_start3A_25 = tpu.memref_slice %arg6[%dma_start3A_22, %dma_start3A_23, %dma_start3A_24] : memref<4x200x128xf32, #tpu.memory_space<vmem>> -> memref<1x200x128xf32, #tpu.memory_space<vmem>>
    %dma_start3A_26 = tpu.memref_squeeze %dma_start3A_25 : memref<1x200x128xf32, #tpu.memory_space<vmem>> -> memref<200x128xf32, #tpu.memory_space<vmem>>
    %dma_start3A_27 = arith.constant 400 : i32
    %dma_start3A_28 = tpu.memref_slice %arg5[%dma_start3A_27] : memref<25600xi32, #tpu.memory_space<vmem>> -> memref<200xi32, #tpu.memory_space<vmem>>
    %dma_start3A_29 = arith.constant 0 : i32
    %dma_start3A_30 = arith.constant 0 : i32
    %dma_start3A_31 = tpu.memref_slice %arg3[%dma_start3A_29, %dma_start3A_30] : memref<1000000x128xf32, #tpu.memory_space<hbm>> -> memref<1000000x128xf32, #tpu.memory_space<hbm>>
    tpu.enqueue_indirect_dma source(%dma_start3A_31 : memref<1000000x128xf32, #tpu.memory_space<hbm>>) target(%dma_start3A_26 : memref<200x128xf32, #tpu.memory_space<vmem>>) offsets(%dma_start3A_28 : memref<200xi32, #tpu.memory_space<vmem>>) semaphore(%arg9 : memref<!tpu.dma_semaphore, #tpu.memory_space<semaphore_mem>>)
    %scan3A = arith.constant 0 : i32
    %scan3A_32 = arith.constant 32 : i32
    %scan3A_33 = arith.addi %scan3A, %scan3A_32 : i32
    %scan3A_34 = arith.constant 1 : i32
    scf.for %scan3A_54 = %scan3A to %scan3A_33 step %scan3A_34  : i32 {
      %mul3A_55 = arith.constant 1 : i32
      %mul3A_56 = arith.muli %scan3A_54, %mul3A_55 : i32
      %add3A_57 = arith.constant 0 : i32
      %add3A_58 = arith.addi %add3A_57, %mul3A_56 : i32
      %mul3A_59 = arith.constant 4 : i32
      %mul3A_60 = arith.muli %add3A_58, %mul3A_59 : i32
      %add3A_61 = arith.constant 0 : i32
      %add3A_62 = arith.addi %mul3A_60, %add3A_61 : i32
      %ge3A = arith.constant 1 : i32
      %ge3A_63 = arith.cmpi sge, %add3A_62, %ge3A : i32
      %convert_element_type3A = arith.extui %ge3A_63 : i1 to i32
      %cond3A = arith.constant 0 : i32
      %cond3A_64 = arith.cmpi ne, %convert_element_type3A, %cond3A : i32
      scf.if %cond3A_64 {
        %sub3A_242 = arith.constant 1 : i32
        %sub3A_243 = arith.subi %add3A_62, %sub3A_242 : i32
        %add3A_244 = arith.addi %mul3A_2, %sub3A_243 : i32
        %dma_wait3A_245 = arith.constant 3 : i32
        %dma_wait3A_246 = arith.constant 0 : i32
        %dma_wait3A_247 = arith.constant 0 : i32
        %dma_wait3A_248 = tpu.memref_slice %arg6[%dma_wait3A_245, %dma_wait3A_246, %dma_wait3A_247] : memref<4x200x128xf32, #tpu.memory_space<vmem>> -> memref<1x200x128xf32, #tpu.memory_space<vmem>>
        %dma_wait3A_249 = tpu.memref_squeeze %dma_wait3A_248 : memref<1x200x128xf32, #tpu.memory_space<vmem>> -> memref<200x128xf32, #tpu.memory_space<vmem>>
        %dma_wait3A_250 = arith.constant 0 : i32
        %dma_wait3A_251 = arith.constant 0 : i32
        %dma_wait3A_252 = tpu.memref_slice %arg4[%add3A_244, %dma_wait3A_250, %dma_wait3A_251] : memref<4096x200x128xf32, #tpu.memory_space<hbm>> -> memref<1x200x128xf32, #tpu.memory_space<hbm>>
        %dma_wait3A_253 = tpu.memref_squeeze %dma_wait3A_252 : memref<1x200x128xf32, #tpu.memory_space<hbm>> -> memref<200x128xf32, #tpu.memory_space<hbm>>
        %dma_wait3A_254 = arith.constant 0 : i32
        %dma_wait3A_255 = arith.constant 0 : i32
        %dma_wait3A_256 = tpu.memref_slice %arg4[%add3A_244, %dma_wait3A_254, %dma_wait3A_255] : memref<4096x200x128xf32, #tpu.memory_space<hbm>> -> memref<1x200x128xf32, #tpu.memory_space<hbm>>
        %dma_wait3A_257 = tpu.memref_squeeze %dma_wait3A_256 : memref<1x200x128xf32, #tpu.memory_space<hbm>> -> memref<200x128xf32, #tpu.memory_space<hbm>>
        %dma_wait3A_258 = arith.constant 0 : i32
        %dma_wait3A_259 = arith.constant 0 : i32
        %dma_wait3A_260 = tpu.memref_slice %arg6[%dma_wait3A_245, %dma_wait3A_258, %dma_wait3A_259] : memref<4x200x128xf32, #tpu.memory_space<vmem>> -> memref<1x200x128xf32, #tpu.memory_space<vmem>>
        %dma_wait3A_261 = tpu.memref_squeeze %dma_wait3A_260 : memref<1x200x128xf32, #tpu.memory_space<vmem>> -> memref<200x128xf32, #tpu.memory_space<vmem>>
        tpu.wait_dma2 semaphore(%arg14 : memref<!tpu.dma_semaphore, #tpu.memory_space<semaphore_mem>>) src(%dma_wait3A_261 : memref<200x128xf32, #tpu.memory_space<vmem>>) dst(%dma_wait3A_257 : memref<200x128xf32, #tpu.memory_space<hbm>>)
      } else {
      }
      %add3A_65 = arith.constant 4 : i32
      %add3A_66 = arith.addi %add3A_62, %add3A_65 : i32
      %sub3A = arith.constant 1 : i32
      %sub3A_67 = arith.subi %add3A_66, %sub3A : i32
      %lt3A = arith.constant 128 : i32
      %lt3A_68 = arith.cmpi slt, %sub3A_67, %lt3A : i32
      %convert_element_type3A_69 = arith.extui %lt3A_68 : i1 to i32
      %cond3A_70 = arith.constant 0 : i32
      %cond3A_71 = arith.cmpi ne, %convert_element_type3A_69, %cond3A_70 : i32
      scf.if %cond3A_71 {
        %add3A_242 = arith.constant 4 : i32
        %add3A_243 = arith.addi %add3A_62, %add3A_242 : i32
        %sub3A_244 = arith.constant 1 : i32
        %sub3A_245 = arith.subi %add3A_243, %sub3A_244 : i32
        %mul3A_246 = arith.constant 200 : i32
        %mul3A_247 = arith.muli %sub3A_245, %mul3A_246 : i32
        %dma_start3A_248 = arith.constant 3 : i32
        %dma_start3A_249 = arith.constant 0 : i32
        %dma_start3A_250 = arith.constant 0 : i32
        %dma_start3A_251 = tpu.memref_slice %arg6[%dma_start3A_248, %dma_start3A_249, %dma_start3A_250] : memref<4x200x128xf32, #tpu.memory_space<vmem>> -> memref<1x200x128xf32, #tpu.memory_space<vmem>>
        %dma_start3A_252 = tpu.memref_squeeze %dma_start3A_251 : memref<1x200x128xf32, #tpu.memory_space<vmem>> -> memref<200x128xf32, #tpu.memory_space<vmem>>
        %dma_start3A_253 = tpu.memref_slice %arg5[%mul3A_247] : memref<25600xi32, #tpu.memory_space<vmem>> -> memref<200xi32, #tpu.memory_space<vmem>>
        %dma_start3A_254 = arith.constant 0 : i32
        %dma_start3A_255 = arith.constant 0 : i32
        %dma_start3A_256 = tpu.memref_slice %arg3[%dma_start3A_254, %dma_start3A_255] : memref<1000000x128xf32, #tpu.memory_space<hbm>> -> memref<1000000x128xf32, #tpu.memory_space<hbm>>
        tpu.enqueue_indirect_dma source(%dma_start3A_256 : memref<1000000x128xf32, #tpu.memory_space<hbm>>) target(%dma_start3A_252 : memref<200x128xf32, #tpu.memory_space<vmem>>) offsets(%dma_start3A_253 : memref<200xi32, #tpu.memory_space<vmem>>) semaphore(%arg10 : memref<!tpu.dma_semaphore, #tpu.memory_space<semaphore_mem>>)
      } else {
      }
      %mul3A_72 = arith.constant 200 : i32
      %mul3A_73 = arith.muli %add3A_62, %mul3A_72 : i32
      %dma_wait3A_74 = arith.constant 0 : i32
      %dma_wait3A_75 = arith.constant 0 : i32
      %dma_wait3A_76 = arith.constant 0 : i32
      %dma_wait3A_77 = tpu.memref_slice %arg6[%dma_wait3A_74, %dma_wait3A_75, %dma_wait3A_76] : memref<4x200x128xf32, #tpu.memory_space<vmem>> -> memref<1x200x128xf32, #tpu.memory_space<vmem>>
      %dma_wait3A_78 = tpu.memref_squeeze %dma_wait3A_77 : memref<1x200x128xf32, #tpu.memory_space<vmem>> -> memref<200x128xf32, #tpu.memory_space<vmem>>
      %dma_wait3A_79 = tpu.memref_slice %arg5[%mul3A_73] : memref<25600xi32, #tpu.memory_space<vmem>> -> memref<200xi32, #tpu.memory_space<vmem>>
      %dma_wait3A_80 = arith.constant 0 : i32
      %dma_wait3A_81 = arith.constant 0 : i32
      %dma_wait3A_82 = tpu.memref_slice %arg3[%dma_wait3A_80, %dma_wait3A_81] : memref<1000000x128xf32, #tpu.memory_space<hbm>> -> memref<1000000x128xf32, #tpu.memory_space<hbm>>
      tpu.wait_indirect_dma semaphore(%arg7 : memref<!tpu.dma_semaphore, #tpu.memory_space<semaphore_mem>>) src(%dma_wait3A_82 : memref<1000000x128xf32, #tpu.memory_space<hbm>>) dst(%dma_wait3A_78 : memref<200x128xf32, #tpu.memory_space<vmem>>)
      %add3A_83 = arith.addi %mul3A_2, %add3A_62 : i32
      %dma_start3A_84 = arith.constant 0 : i32
      %dma_start3A_85 = arith.constant 0 : i32
      %dma_start3A_86 = arith.constant 0 : i32
      %dma_start3A_87 = tpu.memref_slice %arg6[%dma_start3A_84, %dma_start3A_85, %dma_start3A_86] : memref<4x200x128xf32, #tpu.memory_space<vmem>> -> memref<1x200x128xf32, #tpu.memory_space<vmem>>
      %dma_start3A_88 = tpu.memref_squeeze %dma_start3A_87 : memref<1x200x128xf32, #tpu.memory_space<vmem>> -> memref<200x128xf32, #tpu.memory_space<vmem>>
      %dma_start3A_89 = arith.constant 0 : i32
      %dma_start3A_90 = arith.constant 0 : i32
      %dma_start3A_91 = tpu.memref_slice %arg4[%add3A_83, %dma_start3A_89, %dma_start3A_90] : memref<4096x200x128xf32, #tpu.memory_space<hbm>> -> memref<1x200x128xf32, #tpu.memory_space<hbm>>
      %dma_start3A_92 = tpu.memref_squeeze %dma_start3A_91 : memref<1x200x128xf32, #tpu.memory_space<hbm>> -> memref<200x128xf32, #tpu.memory_space<hbm>>
      %dma_start3A_93 = arith.constant 0 : i32
      %dma_start3A_94 = arith.constant 0 : i32
      %dma_start3A_95 = tpu.memref_slice %arg4[%add3A_83, %dma_start3A_93, %dma_start3A_94] : memref<4096x200x128xf32, #tpu.memory_space<hbm>> -> memref<1x200x128xf32, #tpu.memory_space<hbm>>
      %dma_start3A_96 = tpu.memref_squeeze %dma_start3A_95 : memref<1x200x128xf32, #tpu.memory_space<hbm>> -> memref<200x128xf32, #tpu.memory_space<hbm>>
      %dma_start3A_97 = arith.constant 0 : i32
      %dma_start3A_98 = arith.constant 0 : i32
      %dma_start3A_99 = tpu.memref_slice %arg6[%dma_start3A_84, %dma_start3A_97, %dma_start3A_98] : memref<4x200x128xf32, #tpu.memory_space<vmem>> -> memref<1x200x128xf32, #tpu.memory_space<vmem>>
      %dma_start3A_100 = tpu.memref_squeeze %dma_start3A_99 : memref<1x200x128xf32, #tpu.memory_space<vmem>> -> memref<200x128xf32, #tpu.memory_space<vmem>>
      tpu.enqueue_dma source(%dma_start3A_100 : memref<200x128xf32, #tpu.memory_space<vmem>>) target(%dma_start3A_96 : memref<200x128xf32, #tpu.memory_space<hbm>>) target_semaphore(%arg11 : memref<!tpu.dma_semaphore, #tpu.memory_space<semaphore_mem>>)
      %mul3A_101 = arith.constant 4 : i32
      %mul3A_102 = arith.muli %add3A_58, %mul3A_101 : i32
      %add3A_103 = arith.constant 1 : i32
      %add3A_104 = arith.addi %mul3A_102, %add3A_103 : i32
      %ge3A_105 = arith.constant 1 : i32
      %ge3A_106 = arith.cmpi sge, %add3A_104, %ge3A_105 : i32
      %convert_element_type3A_107 = arith.extui %ge3A_106 : i1 to i32
      %cond3A_108 = arith.constant 0 : i32
      %cond3A_109 = arith.cmpi ne, %convert_element_type3A_107, %cond3A_108 : i32
      scf.if %cond3A_109 {
        %sub3A_242 = arith.constant 1 : i32
        %sub3A_243 = arith.subi %add3A_104, %sub3A_242 : i32
        %add3A_244 = arith.addi %mul3A_2, %sub3A_243 : i32
        %dma_wait3A_245 = arith.constant 0 : i32
        %dma_wait3A_246 = arith.constant 0 : i32
        %dma_wait3A_247 = arith.constant 0 : i32
        %dma_wait3A_248 = tpu.memref_slice %arg6[%dma_wait3A_245, %dma_wait3A_246, %dma_wait3A_247] : memref<4x200x128xf32, #tpu.memory_space<vmem>> -> memref<1x200x128xf32, #tpu.memory_space<vmem>>
        %dma_wait3A_249 = tpu.memref_squeeze %dma_wait3A_248 : memref<1x200x128xf32, #tpu.memory_space<vmem>> -> memref<200x128xf32, #tpu.memory_space<vmem>>
        %dma_wait3A_250 = arith.constant 0 : i32
        %dma_wait3A_251 = arith.constant 0 : i32
        %dma_wait3A_252 = tpu.memref_slice %arg4[%add3A_244, %dma_wait3A_250, %dma_wait3A_251] : memref<4096x200x128xf32, #tpu.memory_space<hbm>> -> memref<1x200x128xf32, #tpu.memory_space<hbm>>
        %dma_wait3A_253 = tpu.memref_squeeze %dma_wait3A_252 : memref<1x200x128xf32, #tpu.memory_space<hbm>> -> memref<200x128xf32, #tpu.memory_space<hbm>>
        %dma_wait3A_254 = arith.constant 0 : i32
        %dma_wait3A_255 = arith.constant 0 : i32
        %dma_wait3A_256 = tpu.memref_slice %arg4[%add3A_244, %dma_wait3A_254, %dma_wait3A_255] : memref<4096x200x128xf32, #tpu.memory_space<hbm>> -> memref<1x200x128xf32, #tpu.memory_space<hbm>>
        %dma_wait3A_257 = tpu.memref_squeeze %dma_wait3A_256 : memref<1x200x128xf32, #tpu.memory_space<hbm>> -> memref<200x128xf32, #tpu.memory_space<hbm>>
        %dma_wait3A_258 = arith.constant 0 : i32
        %dma_wait3A_259 = arith.constant 0 : i32
        %dma_wait3A_260 = tpu.memref_slice %arg6[%dma_wait3A_245, %dma_wait3A_258, %dma_wait3A_259] : memref<4x200x128xf32, #tpu.memory_space<vmem>> -> memref<1x200x128xf32, #tpu.memory_space<vmem>>
        %dma_wait3A_261 = tpu.memref_squeeze %dma_wait3A_260 : memref<1x200x128xf32, #tpu.memory_space<vmem>> -> memref<200x128xf32, #tpu.memory_space<vmem>>
        tpu.wait_dma2 semaphore(%arg11 : memref<!tpu.dma_semaphore, #tpu.memory_space<semaphore_mem>>) src(%dma_wait3A_261 : memref<200x128xf32, #tpu.memory_space<vmem>>) dst(%dma_wait3A_257 : memref<200x128xf32, #tpu.memory_space<hbm>>)
      } else {
      }
      %add3A_110 = arith.constant 4 : i32
      %add3A_111 = arith.addi %add3A_104, %add3A_110 : i32
      %sub3A_112 = arith.constant 1 : i32
      %sub3A_113 = arith.subi %add3A_111, %sub3A_112 : i32
      %lt3A_114 = arith.constant 128 : i32
      %lt3A_115 = arith.cmpi slt, %sub3A_113, %lt3A_114 : i32
      %convert_element_type3A_116 = arith.extui %lt3A_115 : i1 to i32
      %cond3A_117 = arith.constant 0 : i32
      %cond3A_118 = arith.cmpi ne, %convert_element_type3A_116, %cond3A_117 : i32
      scf.if %cond3A_118 {
        %add3A_242 = arith.constant 4 : i32
        %add3A_243 = arith.addi %add3A_104, %add3A_242 : i32
        %sub3A_244 = arith.constant 1 : i32
        %sub3A_245 = arith.subi %add3A_243, %sub3A_244 : i32
        %mul3A_246 = arith.constant 200 : i32
        %mul3A_247 = arith.muli %sub3A_245, %mul3A_246 : i32
        %dma_start3A_248 = arith.constant 0 : i32
        %dma_start3A_249 = arith.constant 0 : i32
        %dma_start3A_250 = arith.constant 0 : i32
        %dma_start3A_251 = tpu.memref_slice %arg6[%dma_start3A_248, %dma_start3A_249, %dma_start3A_250] : memref<4x200x128xf32, #tpu.memory_space<vmem>> -> memref<1x200x128xf32, #tpu.memory_space<vmem>>
        %dma_start3A_252 = tpu.memref_squeeze %dma_start3A_251 : memref<1x200x128xf32, #tpu.memory_space<vmem>> -> memref<200x128xf32, #tpu.memory_space<vmem>>
        %dma_start3A_253 = tpu.memref_slice %arg5[%mul3A_247] : memref<25600xi32, #tpu.memory_space<vmem>> -> memref<200xi32, #tpu.memory_space<vmem>>
        %dma_start3A_254 = arith.constant 0 : i32
        %dma_start3A_255 = arith.constant 0 : i32
        %dma_start3A_256 = tpu.memref_slice %arg3[%dma_start3A_254, %dma_start3A_255] : memref<1000000x128xf32, #tpu.memory_space<hbm>> -> memref<1000000x128xf32, #tpu.memory_space<hbm>>
        tpu.enqueue_indirect_dma source(%dma_start3A_256 : memref<1000000x128xf32, #tpu.memory_space<hbm>>) target(%dma_start3A_252 : memref<200x128xf32, #tpu.memory_space<vmem>>) offsets(%dma_start3A_253 : memref<200xi32, #tpu.memory_space<vmem>>) semaphore(%arg7 : memref<!tpu.dma_semaphore, #tpu.memory_space<semaphore_mem>>)
      } else {
      }
      %mul3A_119 = arith.constant 200 : i32
      %mul3A_120 = arith.muli %add3A_104, %mul3A_119 : i32
      %dma_wait3A_121 = arith.constant 1 : i32
      %dma_wait3A_122 = arith.constant 0 : i32
      %dma_wait3A_123 = arith.constant 0 : i32
      %dma_wait3A_124 = tpu.memref_slice %arg6[%dma_wait3A_121, %dma_wait3A_122, %dma_wait3A_123] : memref<4x200x128xf32, #tpu.memory_space<vmem>> -> memref<1x200x128xf32, #tpu.memory_space<vmem>>
      %dma_wait3A_125 = tpu.memref_squeeze %dma_wait3A_124 : memref<1x200x128xf32, #tpu.memory_space<vmem>> -> memref<200x128xf32, #tpu.memory_space<vmem>>
      %dma_wait3A_126 = tpu.memref_slice %arg5[%mul3A_120] : memref<25600xi32, #tpu.memory_space<vmem>> -> memref<200xi32, #tpu.memory_space<vmem>>
      %dma_wait3A_127 = arith.constant 0 : i32
      %dma_wait3A_128 = arith.constant 0 : i32
      %dma_wait3A_129 = tpu.memref_slice %arg3[%dma_wait3A_127, %dma_wait3A_128] : memref<1000000x128xf32, #tpu.memory_space<hbm>> -> memref<1000000x128xf32, #tpu.memory_space<hbm>>
      tpu.wait_indirect_dma semaphore(%arg8 : memref<!tpu.dma_semaphore, #tpu.memory_space<semaphore_mem>>) src(%dma_wait3A_129 : memref<1000000x128xf32, #tpu.memory_space<hbm>>) dst(%dma_wait3A_125 : memref<200x128xf32, #tpu.memory_space<vmem>>)
      %add3A_130 = arith.addi %mul3A_2, %add3A_104 : i32
      %dma_start3A_131 = arith.constant 1 : i32
      %dma_start3A_132 = arith.constant 0 : i32
      %dma_start3A_133 = arith.constant 0 : i32
      %dma_start3A_134 = tpu.memref_slice %arg6[%dma_start3A_131, %dma_start3A_132, %dma_start3A_133] : memref<4x200x128xf32, #tpu.memory_space<vmem>> -> memref<1x200x128xf32, #tpu.memory_space<vmem>>
      %dma_start3A_135 = tpu.memref_squeeze %dma_start3A_134 : memref<1x200x128xf32, #tpu.memory_space<vmem>> -> memref<200x128xf32, #tpu.memory_space<vmem>>
      %dma_start3A_136 = arith.constant 0 : i32
      %dma_start3A_137 = arith.constant 0 : i32
      %dma_start3A_138 = tpu.memref_slice %arg4[%add3A_130, %dma_start3A_136, %dma_start3A_137] : memref<4096x200x128xf32, #tpu.memory_space<hbm>> -> memref<1x200x128xf32, #tpu.memory_space<hbm>>
      %dma_start3A_139 = tpu.memref_squeeze %dma_start3A_138 : memref<1x200x128xf32, #tpu.memory_space<hbm>> -> memref<200x128xf32, #tpu.memory_space<hbm>>
      %dma_start3A_140 = arith.constant 0 : i32
      %dma_start3A_141 = arith.constant 0 : i32
      %dma_start3A_142 = tpu.memref_slice %arg4[%add3A_130, %dma_start3A_140, %dma_start3A_141] : memref<4096x200x128xf32, #tpu.memory_space<hbm>> -> memref<1x200x128xf32, #tpu.memory_space<hbm>>
      %dma_start3A_143 = tpu.memref_squeeze %dma_start3A_142 : memref<1x200x128xf32, #tpu.memory_space<hbm>> -> memref<200x128xf32, #tpu.memory_space<hbm>>
      %dma_start3A_144 = arith.constant 0 : i32
      %dma_start3A_145 = arith.constant 0 : i32
      %dma_start3A_146 = tpu.memref_slice %arg6[%dma_start3A_131, %dma_start3A_144, %dma_start3A_145] : memref<4x200x128xf32, #tpu.memory_space<vmem>> -> memref<1x200x128xf32, #tpu.memory_space<vmem>>
      %dma_start3A_147 = tpu.memref_squeeze %dma_start3A_146 : memref<1x200x128xf32, #tpu.memory_space<vmem>> -> memref<200x128xf32, #tpu.memory_space<vmem>>
      tpu.enqueue_dma source(%dma_start3A_147 : memref<200x128xf32, #tpu.memory_space<vmem>>) target(%dma_start3A_143 : memref<200x128xf32, #tpu.memory_space<hbm>>) target_semaphore(%arg12 : memref<!tpu.dma_semaphore, #tpu.memory_space<semaphore_mem>>)
      %mul3A_148 = arith.constant 4 : i32
      %mul3A_149 = arith.muli %add3A_58, %mul3A_148 : i32
      %add3A_150 = arith.constant 2 : i32
      %add3A_151 = arith.addi %mul3A_149, %add3A_150 : i32
      %ge3A_152 = arith.constant 1 : i32
      %ge3A_153 = arith.cmpi sge, %add3A_151, %ge3A_152 : i32
      %convert_element_type3A_154 = arith.extui %ge3A_153 : i1 to i32
      %cond3A_155 = arith.constant 0 : i32
      %cond3A_156 = arith.cmpi ne, %convert_element_type3A_154, %cond3A_155 : i32
      scf.if %cond3A_156 {
        %sub3A_242 = arith.constant 1 : i32
        %sub3A_243 = arith.subi %add3A_151, %sub3A_242 : i32
        %add3A_244 = arith.addi %mul3A_2, %sub3A_243 : i32
        %dma_wait3A_245 = arith.constant 1 : i32
        %dma_wait3A_246 = arith.constant 0 : i32
        %dma_wait3A_247 = arith.constant 0 : i32
        %dma_wait3A_248 = tpu.memref_slice %arg6[%dma_wait3A_245, %dma_wait3A_246, %dma_wait3A_247] : memref<4x200x128xf32, #tpu.memory_space<vmem>> -> memref<1x200x128xf32, #tpu.memory_space<vmem>>
        %dma_wait3A_249 = tpu.memref_squeeze %dma_wait3A_248 : memref<1x200x128xf32, #tpu.memory_space<vmem>> -> memref<200x128xf32, #tpu.memory_space<vmem>>
        %dma_wait3A_250 = arith.constant 0 : i32
        %dma_wait3A_251 = arith.constant 0 : i32
        %dma_wait3A_252 = tpu.memref_slice %arg4[%add3A_244, %dma_wait3A_250, %dma_wait3A_251] : memref<4096x200x128xf32, #tpu.memory_space<hbm>> -> memref<1x200x128xf32, #tpu.memory_space<hbm>>
        %dma_wait3A_253 = tpu.memref_squeeze %dma_wait3A_252 : memref<1x200x128xf32, #tpu.memory_space<hbm>> -> memref<200x128xf32, #tpu.memory_space<hbm>>
        %dma_wait3A_254 = arith.constant 0 : i32
        %dma_wait3A_255 = arith.constant 0 : i32
        %dma_wait3A_256 = tpu.memref_slice %arg4[%add3A_244, %dma_wait3A_254, %dma_wait3A_255] : memref<4096x200x128xf32, #tpu.memory_space<hbm>> -> memref<1x200x128xf32, #tpu.memory_space<hbm>>
        %dma_wait3A_257 = tpu.memref_squeeze %dma_wait3A_256 : memref<1x200x128xf32, #tpu.memory_space<hbm>> -> memref<200x128xf32, #tpu.memory_space<hbm>>
        %dma_wait3A_258 = arith.constant 0 : i32
        %dma_wait3A_259 = arith.constant 0 : i32
        %dma_wait3A_260 = tpu.memref_slice %arg6[%dma_wait3A_245, %dma_wait3A_258, %dma_wait3A_259] : memref<4x200x128xf32, #tpu.memory_space<vmem>> -> memref<1x200x128xf32, #tpu.memory_space<vmem>>
        %dma_wait3A_261 = tpu.memref_squeeze %dma_wait3A_260 : memref<1x200x128xf32, #tpu.memory_space<vmem>> -> memref<200x128xf32, #tpu.memory_space<vmem>>
        tpu.wait_dma2 semaphore(%arg12 : memref<!tpu.dma_semaphore, #tpu.memory_space<semaphore_mem>>) src(%dma_wait3A_261 : memref<200x128xf32, #tpu.memory_space<vmem>>) dst(%dma_wait3A_257 : memref<200x128xf32, #tpu.memory_space<hbm>>)
      } else {
      }
      %add3A_157 = arith.constant 4 : i32
      %add3A_158 = arith.addi %add3A_151, %add3A_157 : i32
      %sub3A_159 = arith.constant 1 : i32
      %sub3A_160 = arith.subi %add3A_158, %sub3A_159 : i32
      %lt3A_161 = arith.constant 128 : i32
      %lt3A_162 = arith.cmpi slt, %sub3A_160, %lt3A_161 : i32
      %convert_element_type3A_163 = arith.extui %lt3A_162 : i1 to i32
      %cond3A_164 = arith.constant 0 : i32
      %cond3A_165 = arith.cmpi ne, %convert_element_type3A_163, %cond3A_164 : i32
      scf.if %cond3A_165 {
        %add3A_242 = arith.constant 4 : i32
        %add3A_243 = arith.addi %add3A_151, %add3A_242 : i32
        %sub3A_244 = arith.constant 1 : i32
        %sub3A_245 = arith.subi %add3A_243, %sub3A_244 : i32
        %mul3A_246 = arith.constant 200 : i32
        %mul3A_247 = arith.muli %sub3A_245, %mul3A_246 : i32
        %dma_start3A_248 = arith.constant 1 : i32
        %dma_start3A_249 = arith.constant 0 : i32
        %dma_start3A_250 = arith.constant 0 : i32
        %dma_start3A_251 = tpu.memref_slice %arg6[%dma_start3A_248, %dma_start3A_249, %dma_start3A_250] : memref<4x200x128xf32, #tpu.memory_space<vmem>> -> memref<1x200x128xf32, #tpu.memory_space<vmem>>
        %dma_start3A_252 = tpu.memref_squeeze %dma_start3A_251 : memref<1x200x128xf32, #tpu.memory_space<vmem>> -> memref<200x128xf32, #tpu.memory_space<vmem>>
        %dma_start3A_253 = tpu.memref_slice %arg5[%mul3A_247] : memref<25600xi32, #tpu.memory_space<vmem>> -> memref<200xi32, #tpu.memory_space<vmem>>
        %dma_start3A_254 = arith.constant 0 : i32
        %dma_start3A_255 = arith.constant 0 : i32
        %dma_start3A_256 = tpu.memref_slice %arg3[%dma_start3A_254, %dma_start3A_255] : memref<1000000x128xf32, #tpu.memory_space<hbm>> -> memref<1000000x128xf32, #tpu.memory_space<hbm>>
        tpu.enqueue_indirect_dma source(%dma_start3A_256 : memref<1000000x128xf32, #tpu.memory_space<hbm>>) target(%dma_start3A_252 : memref<200x128xf32, #tpu.memory_space<vmem>>) offsets(%dma_start3A_253 : memref<200xi32, #tpu.memory_space<vmem>>) semaphore(%arg8 : memref<!tpu.dma_semaphore, #tpu.memory_space<semaphore_mem>>)
      } else {
      }
      %mul3A_166 = arith.constant 200 : i32
      %mul3A_167 = arith.muli %add3A_151, %mul3A_166 : i32
      %dma_wait3A_168 = arith.constant 2 : i32
      %dma_wait3A_169 = arith.constant 0 : i32
      %dma_wait3A_170 = arith.constant 0 : i32
      %dma_wait3A_171 = tpu.memref_slice %arg6[%dma_wait3A_168, %dma_wait3A_169, %dma_wait3A_170] : memref<4x200x128xf32, #tpu.memory_space<vmem>> -> memref<1x200x128xf32, #tpu.memory_space<vmem>>
      %dma_wait3A_172 = tpu.memref_squeeze %dma_wait3A_171 : memref<1x200x128xf32, #tpu.memory_space<vmem>> -> memref<200x128xf32, #tpu.memory_space<vmem>>
      %dma_wait3A_173 = tpu.memref_slice %arg5[%mul3A_167] : memref<25600xi32, #tpu.memory_space<vmem>> -> memref<200xi32, #tpu.memory_space<vmem>>
      %dma_wait3A_174 = arith.constant 0 : i32
      %dma_wait3A_175 = arith.constant 0 : i32
      %dma_wait3A_176 = tpu.memref_slice %arg3[%dma_wait3A_174, %dma_wait3A_175] : memref<1000000x128xf32, #tpu.memory_space<hbm>> -> memref<1000000x128xf32, #tpu.memory_space<hbm>>
      tpu.wait_indirect_dma semaphore(%arg9 : memref<!tpu.dma_semaphore, #tpu.memory_space<semaphore_mem>>) src(%dma_wait3A_176 : memref<1000000x128xf32, #tpu.memory_space<hbm>>) dst(%dma_wait3A_172 : memref<200x128xf32, #tpu.memory_space<vmem>>)
      %add3A_177 = arith.addi %mul3A_2, %add3A_151 : i32
      %dma_start3A_178 = arith.constant 2 : i32
      %dma_start3A_179 = arith.constant 0 : i32
      %dma_start3A_180 = arith.constant 0 : i32
      %dma_start3A_181 = tpu.memref_slice %arg6[%dma_start3A_178, %dma_start3A_179, %dma_start3A_180] : memref<4x200x128xf32, #tpu.memory_space<vmem>> -> memref<1x200x128xf32, #tpu.memory_space<vmem>>
      %dma_start3A_182 = tpu.memref_squeeze %dma_start3A_181 : memref<1x200x128xf32, #tpu.memory_space<vmem>> -> memref<200x128xf32, #tpu.memory_space<vmem>>
      %dma_start3A_183 = arith.constant 0 : i32
      %dma_start3A_184 = arith.constant 0 : i32
      %dma_start3A_185 = tpu.memref_slice %arg4[%add3A_177, %dma_start3A_183, %dma_start3A_184] : memref<4096x200x128xf32, #tpu.memory_space<hbm>> -> memref<1x200x128xf32, #tpu.memory_space<hbm>>
      %dma_start3A_186 = tpu.memref_squeeze %dma_start3A_185 : memref<1x200x128xf32, #tpu.memory_space<hbm>> -> memref<200x128xf32, #tpu.memory_space<hbm>>
      %dma_start3A_187 = arith.constant 0 : i32
      %dma_start3A_188 = arith.constant 0 : i32
      %dma_start3A_189 = tpu.memref_slice %arg4[%add3A_177, %dma_start3A_187, %dma_start3A_188] : memref<4096x200x128xf32, #tpu.memory_space<hbm>> -> memref<1x200x128xf32, #tpu.memory_space<hbm>>
      %dma_start3A_190 = tpu.memref_squeeze %dma_start3A_189 : memref<1x200x128xf32, #tpu.memory_space<hbm>> -> memref<200x128xf32, #tpu.memory_space<hbm>>
      %dma_start3A_191 = arith.constant 0 : i32
      %dma_start3A_192 = arith.constant 0 : i32
      %dma_start3A_193 = tpu.memref_slice %arg6[%dma_start3A_178, %dma_start3A_191, %dma_start3A_192] : memref<4x200x128xf32, #tpu.memory_space<vmem>> -> memref<1x200x128xf32, #tpu.memory_space<vmem>>
      %dma_start3A_194 = tpu.memref_squeeze %dma_start3A_193 : memref<1x200x128xf32, #tpu.memory_space<vmem>> -> memref<200x128xf32, #tpu.memory_space<vmem>>
      tpu.enqueue_dma source(%dma_start3A_194 : memref<200x128xf32, #tpu.memory_space<vmem>>) target(%dma_start3A_190 : memref<200x128xf32, #tpu.memory_space<hbm>>) target_semaphore(%arg13 : memref<!tpu.dma_semaphore, #tpu.memory_space<semaphore_mem>>)
      %mul3A_195 = arith.constant 4 : i32
      %mul3A_196 = arith.muli %add3A_58, %mul3A_195 : i32
      %add3A_197 = arith.constant 3 : i32
      %add3A_198 = arith.addi %mul3A_196, %add3A_197 : i32
      %ge3A_199 = arith.constant 1 : i32
      %ge3A_200 = arith.cmpi sge, %add3A_198, %ge3A_199 : i32
      %convert_element_type3A_201 = arith.extui %ge3A_200 : i1 to i32
      %cond3A_202 = arith.constant 0 : i32
      %cond3A_203 = arith.cmpi ne, %convert_element_type3A_201, %cond3A_202 : i32
      scf.if %cond3A_203 {
        %sub3A_242 = arith.constant 1 : i32
        %sub3A_243 = arith.subi %add3A_198, %sub3A_242 : i32
        %add3A_244 = arith.addi %mul3A_2, %sub3A_243 : i32
        %dma_wait3A_245 = arith.constant 2 : i32
        %dma_wait3A_246 = arith.constant 0 : i32
        %dma_wait3A_247 = arith.constant 0 : i32
        %dma_wait3A_248 = tpu.memref_slice %arg6[%dma_wait3A_245, %dma_wait3A_246, %dma_wait3A_247] : memref<4x200x128xf32, #tpu.memory_space<vmem>> -> memref<1x200x128xf32, #tpu.memory_space<vmem>>
        %dma_wait3A_249 = tpu.memref_squeeze %dma_wait3A_248 : memref<1x200x128xf32, #tpu.memory_space<vmem>> -> memref<200x128xf32, #tpu.memory_space<vmem>>
        %dma_wait3A_250 = arith.constant 0 : i32
        %dma_wait3A_251 = arith.constant 0 : i32
        %dma_wait3A_252 = tpu.memref_slice %arg4[%add3A_244, %dma_wait3A_250, %dma_wait3A_251] : memref<4096x200x128xf32, #tpu.memory_space<hbm>> -> memref<1x200x128xf32, #tpu.memory_space<hbm>>
        %dma_wait3A_253 = tpu.memref_squeeze %dma_wait3A_252 : memref<1x200x128xf32, #tpu.memory_space<hbm>> -> memref<200x128xf32, #tpu.memory_space<hbm>>
        %dma_wait3A_254 = arith.constant 0 : i32
        %dma_wait3A_255 = arith.constant 0 : i32
        %dma_wait3A_256 = tpu.memref_slice %arg4[%add3A_244, %dma_wait3A_254, %dma_wait3A_255] : memref<4096x200x128xf32, #tpu.memory_space<hbm>> -> memref<1x200x128xf32, #tpu.memory_space<hbm>>
        %dma_wait3A_257 = tpu.memref_squeeze %dma_wait3A_256 : memref<1x200x128xf32, #tpu.memory_space<hbm>> -> memref<200x128xf32, #tpu.memory_space<hbm>>
        %dma_wait3A_258 = arith.constant 0 : i32
        %dma_wait3A_259 = arith.constant 0 : i32
        %dma_wait3A_260 = tpu.memref_slice %arg6[%dma_wait3A_245, %dma_wait3A_258, %dma_wait3A_259] : memref<4x200x128xf32, #tpu.memory_space<vmem>> -> memref<1x200x128xf32, #tpu.memory_space<vmem>>
        %dma_wait3A_261 = tpu.memref_squeeze %dma_wait3A_260 : memref<1x200x128xf32, #tpu.memory_space<vmem>> -> memref<200x128xf32, #tpu.memory_space<vmem>>
        tpu.wait_dma2 semaphore(%arg13 : memref<!tpu.dma_semaphore, #tpu.memory_space<semaphore_mem>>) src(%dma_wait3A_261 : memref<200x128xf32, #tpu.memory_space<vmem>>) dst(%dma_wait3A_257 : memref<200x128xf32, #tpu.memory_space<hbm>>)
      } else {
      }
      %add3A_204 = arith.constant 4 : i32
      %add3A_205 = arith.addi %add3A_198, %add3A_204 : i32
      %sub3A_206 = arith.constant 1 : i32
      %sub3A_207 = arith.subi %add3A_205, %sub3A_206 : i32
      %lt3A_208 = arith.constant 128 : i32
      %lt3A_209 = arith.cmpi slt, %sub3A_207, %lt3A_208 : i32
      %convert_element_type3A_210 = arith.extui %lt3A_209 : i1 to i32
      %cond3A_211 = arith.constant 0 : i32
      %cond3A_212 = arith.cmpi ne, %convert_element_type3A_210, %cond3A_211 : i32
      scf.if %cond3A_212 {
        %add3A_242 = arith.constant 4 : i32
        %add3A_243 = arith.addi %add3A_198, %add3A_242 : i32
        %sub3A_244 = arith.constant 1 : i32
        %sub3A_245 = arith.subi %add3A_243, %sub3A_244 : i32
        %mul3A_246 = arith.constant 200 : i32
        %mul3A_247 = arith.muli %sub3A_245, %mul3A_246 : i32
        %dma_start3A_248 = arith.constant 2 : i32
        %dma_start3A_249 = arith.constant 0 : i32
        %dma_start3A_250 = arith.constant 0 : i32
        %dma_start3A_251 = tpu.memref_slice %arg6[%dma_start3A_248, %dma_start3A_249, %dma_start3A_250] : memref<4x200x128xf32, #tpu.memory_space<vmem>> -> memref<1x200x128xf32, #tpu.memory_space<vmem>>
        %dma_start3A_252 = tpu.memref_squeeze %dma_start3A_251 : memref<1x200x128xf32, #tpu.memory_space<vmem>> -> memref<200x128xf32, #tpu.memory_space<vmem>>
        %dma_start3A_253 = tpu.memref_slice %arg5[%mul3A_247] : memref<25600xi32, #tpu.memory_space<vmem>> -> memref<200xi32, #tpu.memory_space<vmem>>
        %dma_start3A_254 = arith.constant 0 : i32
        %dma_start3A_255 = arith.constant 0 : i32
        %dma_start3A_256 = tpu.memref_slice %arg3[%dma_start3A_254, %dma_start3A_255] : memref<1000000x128xf32, #tpu.memory_space<hbm>> -> memref<1000000x128xf32, #tpu.memory_space<hbm>>
        tpu.enqueue_indirect_dma source(%dma_start3A_256 : memref<1000000x128xf32, #tpu.memory_space<hbm>>) target(%dma_start3A_252 : memref<200x128xf32, #tpu.memory_space<vmem>>) offsets(%dma_start3A_253 : memref<200xi32, #tpu.memory_space<vmem>>) semaphore(%arg9 : memref<!tpu.dma_semaphore, #tpu.memory_space<semaphore_mem>>)
      } else {
      }
      %mul3A_213 = arith.constant 200 : i32
      %mul3A_214 = arith.muli %add3A_198, %mul3A_213 : i32
      %dma_wait3A_215 = arith.constant 3 : i32
      %dma_wait3A_216 = arith.constant 0 : i32
      %dma_wait3A_217 = arith.constant 0 : i32
      %dma_wait3A_218 = tpu.memref_slice %arg6[%dma_wait3A_215, %dma_wait3A_216, %dma_wait3A_217] : memref<4x200x128xf32, #tpu.memory_space<vmem>> -> memref<1x200x128xf32, #tpu.memory_space<vmem>>
      %dma_wait3A_219 = tpu.memref_squeeze %dma_wait3A_218 : memref<1x200x128xf32, #tpu.memory_space<vmem>> -> memref<200x128xf32, #tpu.memory_space<vmem>>
      %dma_wait3A_220 = tpu.memref_slice %arg5[%mul3A_214] : memref<25600xi32, #tpu.memory_space<vmem>> -> memref<200xi32, #tpu.memory_space<vmem>>
      %dma_wait3A_221 = arith.constant 0 : i32
      %dma_wait3A_222 = arith.constant 0 : i32
      %dma_wait3A_223 = tpu.memref_slice %arg3[%dma_wait3A_221, %dma_wait3A_222] : memref<1000000x128xf32, #tpu.memory_space<hbm>> -> memref<1000000x128xf32, #tpu.memory_space<hbm>>
      tpu.wait_indirect_dma semaphore(%arg10 : memref<!tpu.dma_semaphore, #tpu.memory_space<semaphore_mem>>) src(%dma_wait3A_223 : memref<1000000x128xf32, #tpu.memory_space<hbm>>) dst(%dma_wait3A_219 : memref<200x128xf32, #tpu.memory_space<vmem>>)
      %add3A_224 = arith.addi %mul3A_2, %add3A_198 : i32
      %dma_start3A_225 = arith.constant 3 : i32
      %dma_start3A_226 = arith.constant 0 : i32
      %dma_start3A_227 = arith.constant 0 : i32
      %dma_start3A_228 = tpu.memref_slice %arg6[%dma_start3A_225, %dma_start3A_226, %dma_start3A_227] : memref<4x200x128xf32, #tpu.memory_space<vmem>> -> memref<1x200x128xf32, #tpu.memory_space<vmem>>
      %dma_start3A_229 = tpu.memref_squeeze %dma_start3A_228 : memref<1x200x128xf32, #tpu.memory_space<vmem>> -> memref<200x128xf32, #tpu.memory_space<vmem>>
      %dma_start3A_230 = arith.constant 0 : i32
      %dma_start3A_231 = arith.constant 0 : i32
      %dma_start3A_232 = tpu.memref_slice %arg4[%add3A_224, %dma_start3A_230, %dma_start3A_231] : memref<4096x200x128xf32, #tpu.memory_space<hbm>> -> memref<1x200x128xf32, #tpu.memory_space<hbm>>
      %dma_start3A_233 = tpu.memref_squeeze %dma_start3A_232 : memref<1x200x128xf32, #tpu.memory_space<hbm>> -> memref<200x128xf32, #tpu.memory_space<hbm>>
      %dma_start3A_234 = arith.constant 0 : i32
      %dma_start3A_235 = arith.constant 0 : i32
      %dma_start3A_236 = tpu.memref_slice %arg4[%add3A_224, %dma_start3A_234, %dma_start3A_235] : memref<4096x200x128xf32, #tpu.memory_space<hbm>> -> memref<1x200x128xf32, #tpu.memory_space<hbm>>
      %dma_start3A_237 = tpu.memref_squeeze %dma_start3A_236 : memref<1x200x128xf32, #tpu.memory_space<hbm>> -> memref<200x128xf32, #tpu.memory_space<hbm>>
      %dma_start3A_238 = arith.constant 0 : i32
      %dma_start3A_239 = arith.constant 0 : i32
      %dma_start3A_240 = tpu.memref_slice %arg6[%dma_start3A_225, %dma_start3A_238, %dma_start3A_239] : memref<4x200x128xf32, #tpu.memory_space<vmem>> -> memref<1x200x128xf32, #tpu.memory_space<vmem>>
      %dma_start3A_241 = tpu.memref_squeeze %dma_start3A_240 : memref<1x200x128xf32, #tpu.memory_space<vmem>> -> memref<200x128xf32, #tpu.memory_space<vmem>>
      tpu.enqueue_dma source(%dma_start3A_241 : memref<200x128xf32, #tpu.memory_space<vmem>>) target(%dma_start3A_237 : memref<200x128xf32, #tpu.memory_space<hbm>>) target_semaphore(%arg14 : memref<!tpu.dma_semaphore, #tpu.memory_space<semaphore_mem>>)
    }
    %scan3A_35 = arith.constant 32 : i32
    %add3A_36 = arith.constant 127 : i32
    %add3A_37 = arith.addi %mul3A_2, %add3A_36 : i32
    %dma_wait3A = arith.constant 3 : i32
    %dma_wait3A_38 = arith.constant 0 : i32
    %dma_wait3A_39 = arith.constant 0 : i32
    %dma_wait3A_40 = tpu.memref_slice %arg6[%dma_wait3A, %dma_wait3A_38, %dma_wait3A_39] : memref<4x200x128xf32, #tpu.memory_space<vmem>> -> memref<1x200x128xf32, #tpu.memory_space<vmem>>
    %dma_wait3A_41 = tpu.memref_squeeze %dma_wait3A_40 : memref<1x200x128xf32, #tpu.memory_space<vmem>> -> memref<200x128xf32, #tpu.memory_space<vmem>>
    %dma_wait3A_42 = arith.constant 0 : i32
    %dma_wait3A_43 = arith.constant 0 : i32
    %dma_wait3A_44 = tpu.memref_slice %arg4[%add3A_37, %dma_wait3A_42, %dma_wait3A_43] : memref<4096x200x128xf32, #tpu.memory_space<hbm>> -> memref<1x200x128xf32, #tpu.memory_space<hbm>>
    %dma_wait3A_45 = tpu.memref_squeeze %dma_wait3A_44 : memref<1x200x128xf32, #tpu.memory_space<hbm>> -> memref<200x128xf32, #tpu.memory_space<hbm>>
    %dma_wait3A_46 = arith.constant 0 : i32
    %dma_wait3A_47 = arith.constant 0 : i32
    %dma_wait3A_48 = tpu.memref_slice %arg4[%add3A_37, %dma_wait3A_46, %dma_wait3A_47] : memref<4096x200x128xf32, #tpu.memory_space<hbm>> -> memref<1x200x128xf32, #tpu.memory_space<hbm>>
    %dma_wait3A_49 = tpu.memref_squeeze %dma_wait3A_48 : memref<1x200x128xf32, #tpu.memory_space<hbm>> -> memref<200x128xf32, #tpu.memory_space<hbm>>
    %dma_wait3A_50 = arith.constant 0 : i32
    %dma_wait3A_51 = arith.constant 0 : i32
    %dma_wait3A_52 = tpu.memref_slice %arg6[%dma_wait3A, %dma_wait3A_50, %dma_wait3A_51] : memref<4x200x128xf32, #tpu.memory_space<vmem>> -> memref<1x200x128xf32, #tpu.memory_space<vmem>>
    %dma_wait3A_53 = tpu.memref_squeeze %dma_wait3A_52 : memref<1x200x128xf32, #tpu.memory_space<vmem>> -> memref<200x128xf32, #tpu.memory_space<vmem>>
    tpu.wait_dma2 semaphore(%arg14 : memref<!tpu.dma_semaphore, #tpu.memory_space<semaphore_mem>>) src(%dma_wait3A_53 : memref<200x128xf32, #tpu.memory_space<vmem>>) dst(%dma_wait3A_49 : memref<200x128xf32, #tpu.memory_space<hbm>>)
    return
  }
}

</mosaic_0001>

<sc_bundles>
// kernel: _emb_lookup.3.cloned.1.call-start
scs
__scs_entry_jumppad:
0x0: {  	(pc) =	sbr.rel $0x88, $3  }
0x1: {  	(tag) =	ssettag $0x0;
	lr =	simm.s32 $0x1  }
0x2: {  	[smem:$0x3F9F] =	sst lr;
	_ =	strace $0xD0000000  }
0x3: {  	_ = 	snop  }
0x4: {  	_ = 	snop  }
0x5: {  	_ = 	snop  }
0x6: {  	_ = 	snop  }
0x7: {  	_ = 	snop  }
__scs_overlays_trampoline_lowered:
0x8: {  	[smem:$0x3FAE] =	sst s0  }
0x9: {  	[smem:$0x3FAF] =	sst s1  }
0xa: {  	[smem:$0x3FB0] =	sst s2  }
0xb: {  	[smem:$0x3FB1] =	sst s3  }
0xc: {  	[smem:$0x3FB2] =	sst s4  }
0xd: {  	[smem:$0x3FB3] =	sst s5  }
0xe: {  	[smem:$0x3FB4] =	sst s6  }
0xf: {  	[smem:$0x3FB5] =	sst s7  }
0x10: {  	[smem:$0x3FB6] =	sst s8  }
0x11: {  	[smem:$0x3FB7] =	sst s9;
	s0 =	simm.s32 @!p0 $0x0  }
0x12: {  	s1 =	sld [smem:$0x3F9D];
	s0 =	simm.s32 @p0 $0x1  }
0x13: {  	[smem:$0x3FB8] =	sst s0;
	s0 =	simm.s32 @!p1 $0x0  }
0x14: {  	s2 =	sld [smem:$0x3F9C];
	s0 =	simm.s32 @p1 $0x1  }
0x15: {  	[smem:$0x3FB9] =	sst s0;
	s0 =	simm.s32 @!p2 $0x0  }
0x16: {  	s3 =	sld [smem:$0x3FDB];
	s0 =	simm.s32 @p2 $0x1  }
0x17: {  	s4 =	simm.s32 $0x1BF5;
	[smem:$0x3FBB] =	sst s0  }
0x18: {  	s0 =	sld [smem:$0x3F9E];
	_ =	swait.ge [sflag:s4], $0x0  }
0x19: {  	s7 =	sld [smem:$0x3F9F]  }
0x1a: {  	s8 =	sadd.s32 $0xFFFFE003, lr  }
0x1b: {  	s9 =	sadd.s32 $0xFFFFFEF7, lr;
	s5 =	simm.s32 $0xFFFFFFFF;
	p2 =	slt.u32 s8, $0xFFFFF086  }
0x1c: {  	p1 =	slt.u32 s9, $0xF7A;
	s5 =	simm.s32 @!p2 $0x0  }
0x1d: {  	s5 =	simm.s32 @p1 $0x1;
	p0 =	seq.s32 s7, s2  }
0x1e: {  	s7 =	smul.u32 @!p0 $0xF7A, s2;
	p2 =	seq.s32 @!p0 s5, $0x0  }
0x1f: {  	s9 =	smul.u32 $0xF7A, s1;
	s8 =	simm.s32 @!p0 $0x1BF5;
	p2 =	por !p2, p0  }
0x20: {  	[sflag:s8] =	ssyncset.s32 @!p0 $0xFFFFF086;
	s6 =	sadd.s32 @!p0 s3, s7;
	s7 =	simm.s32 @!p0 $0x108  }
0x21: {  	s3 =	sadd.s32 s3, s9;
	s6 =	sadd.s32 @!p0 $0x88, s6;
	s7 =	simm.s32 @p2 $0x1082  }
0x22: {  	[simem:s7], [sflag:s8] =	dma.local @!p0 [hbm:s6], $0xF7A  }
0x23: {  	s9 =	sor.u32 $0xD0000000, s2;
	s6 =	simm.s32 $0x108;
	_ =	swait.ge @!p0 [sflag:s8], $0x0  }
0x24: {  	s3 =	sadd.s32 $0x88, s3;
	s6 =	simm.s32 @!p1 $0x1082;
	[sflag:s4] =	ssyncset.s32 $0xFFFFF086  }
0x25: {  	[simem:s6], [sflag:s4] =	dma.local [hbm:s3], $0xF7A  }
0x26: {  	[smem:$0x3F9F] =	sst s1;
	(tag) =	ssettag s2;
	_ =	strace s9  }
0x27: {  	s1 =	sld [smem:$0x3FAF]  }
0x28: {  	s2 =	sld [smem:$0x3FB0]  }
0x29: {  	s4 =	sld [smem:$0x3FB2]  }
0x2a: {  	p0 =	seq.s32 s5, $0x0;
	s5 =	sld [smem:$0x3FB3]  }
0x2b: {  	s6 =	sld [smem:$0x3FB4]  }
0x2c: {  	s7 =	sld [smem:$0x3FB5]  }
0x2d: {  	s3 =	simm.s32 $0x108;
	s8 =	sld [smem:$0x3FB6]  }
0x2e: {  	s3 =	simm.s32 @!p0 $0x1082;
	s9 =	sld [smem:$0x3FB7]  }
0x2f: {  	lr =	sadd.s32 s0, s3;
	s0 =	sld [smem:$0x3FAE]  }
0x30: {  	s3 =	sld [smem:$0x3FB1]  }
0x31: {  	[smem:$0x3FBA] =	sst s10  }
0x32: {  	s10 =	sld [smem:$0x3FB8];
	_ =	sdelay $0x3  }
0x33: {  	p0 =	seq.s32 s10, $0x1;
	s10 =	sld [smem:$0x3FBA];
	_ =	sdelay $0x3  }
0x34: {  	[smem:$0x3FBA] =	sst s10  }
0x35: {  	s10 =	sld [smem:$0x3FB9];
	_ =	sdelay $0x3  }
0x36: {  	p1 =	seq.s32 s10, $0x1;
	s10 =	sld [smem:$0x3FBA];
	_ =	sdelay $0x3  }
0x37: {  	[smem:$0x3FBA] =	sst s10  }
0x38: {  	s10 =	sld [smem:$0x3FBB]  }
0x39: {  	_ = 	snop;
	(pc) =	sbr.ind lr, $3  }
0x3a: {  	_ = 	snop  }
0x3b: {  	_ = 	snop  }
0x3c: {  	p2 =	seq.s32 s10, $0x1;
	s10 =	sld [smem:$0x3FBA]  }
0x3d: {  	_ =	shalt  }
0x3e: {  	_ =	shalt  }
0x3f: {  	_ =	shalt  }
0x40: {  	_ =	shalt  }
0x41: {  	_ =	shalt  }
0x42: {  	_ =	shalt  }
0x43: {  	_ =	shalt  }
0x44: {  	_ =	shalt  }
0x45: {  	_ =	shalt  }
0x46: {  	_ =	shalt  }
0x47: {  	_ =	shalt  }
0x48: {  	_ =	shalt  }
0x49: {  	_ =	shalt  }
0x4a: {  	_ =	shalt  }
0x4b: {  	_ =	shalt  }
0x4c: {  	_ =	shalt  }
0x4d: {  	_ =	shalt  }
0x4e: {  	_ =	shalt  }
0x4f: {  	_ =	shalt  }
0x50: {  	_ =	shalt  }
0x51: {  	_ =	shalt  }
0x52: {  	_ =	shalt  }
0x53: {  	_ =	shalt  }
0x54: {  	_ =	shalt  }
0x55: {  	_ =	shalt  }
0x56: {  	_ =	shalt  }
0x57: {  	_ =	shalt  }
0x58: {  	_ =	shalt  }
0x59: {  	_ =	shalt  }
0x5a: {  	_ =	shalt  }
0x5b: {  	_ =	shalt  }
0x5c: {  	_ =	shalt  }
0x5d: {  	_ =	shalt  }
0x5e: {  	_ =	shalt  }
0x5f: {  	_ =	shalt  }
0x60: {  	_ =	shalt  }
0x61: {  	_ =	shalt  }
0x62: {  	_ =	shalt  }
0x63: {  	_ =	shalt  }
0x64: {  	_ =	shalt  }
0x65: {  	_ =	shalt  }
0x66: {  	_ =	shalt  }
0x67: {  	_ =	shalt  }
0x68: {  	_ =	shalt  }
0x69: {  	_ =	shalt  }
0x6a: {  	_ =	shalt  }
0x6b: {  	_ =	shalt  }
0x6c: {  	_ =	shalt  }
0x6d: {  	_ =	shalt  }
0x6e: {  	_ =	shalt  }
0x6f: {  	_ =	shalt  }
0x70: {  	_ =	shalt  }
0x71: {  	_ =	shalt  }
0x72: {  	_ =	shalt  }
0x73: {  	_ =	shalt  }
0x74: {  	_ =	shalt  }
0x75: {  	_ =	shalt  }
0x76: {  	_ =	shalt  }
0x77: {  	_ =	shalt  }
0x78: {  	_ =	shalt  }
0x79: {  	_ =	shalt  }
0x7a: {  	_ =	shalt  }
0x7b: {  	_ =	shalt  }
0x7c: {  	_ =	shalt  }
0x7d: {  	_ =	shalt  }
0x7e: {  	_ =	shalt  }
0x7f: {  	_ =	shalt  }
0x80: {  	_ =	shalt  }
0x81: {  	_ =	shalt  }
0x82: {  	_ =	shalt  }
0x83: {  	_ =	shalt  }
0x84: {  	_ =	shalt  }
0x85: {  	_ =	shalt  }
0x86: {  	_ =	shalt  }
0x87: {  	_ =	shalt  }
.Lfunc_end0:
.L_simem_size_0:
called_computation_lowered:
.L_overlay_start_0:
0x88: {  	s2 =	sld [smem:$0x3FD9]  }
0x89: {  	s3 =	sld [smem:$0x3FFE];
	_ =	sdelay $0x1  }
0x8a: {  	s1 =	srdreg.scid  }
0x8b: {  	s0 =	sand.u32 $0x1, s1  }
0x8c: {  	s18 =	sshll.u32 s0, $0xA;
	s2 =	sadd.s32 s3, s2  }
0x8d: {  	s2 =	sadd.s32 s2, s18  }
0x8e: {  	[smem:$0x3FC6] =	sst s2  }
0x8f: {  	_ = 	snop  }
0x90: {  	s2 =	sld [smem:$0x3FC9]  }
0x91: {  	s19 =	sld [smem:$0x3FC8]  }
0x92: {  	s4 =	sld [smem:$0x3FD0];
	(tm) =	ssettm $0x1  }
0x93: {  	s5 =	sld [smem:$0x3FFB];
	_ =	sdelay $0x3  }
0x94: {  	_ =	strace s5  }
0x95: {  	s5 =	sld [smem:$0x3FFC];
	_ =	sdelay $0x3  }
0x96: {  	_ =	strace s5  }
0x97: {  	s5 =	sld [smem:$0x3FFD];
	_ =	sdelay $0x3  }
0x98: {  	_ =	strace s5  }
0x99: {  	_ =	strace $0x8FFFFFFF  }
0x9a: {  	s20 =	sld [smem:$0x3FDB];
	_ =	sdelay $0x1  }
0x9b: {  	s6 =	simm.s32 $_scs_section_size  }
0x9c: {  	s7 =	simm.s32 $_size__tile_overlayer_lowered;
	s8 =	simm.s32 $_tile_overlayer_lowered  }
0x9d: {  	s23 =	simm.s32 $0x1BFF;
	s22 =	sshll.u32 s8, $0x1;
	s5 =	sadd.s32 s6, s20  }
0x9e: {  	s9 =	simm.s32 $0x0;
	s21 =	sshll.u32 s7, $0x1;
	s7 =	sadd.s32 s22, s5  }
0x9f: {  	[timem:s9], [sflag:s23] =	dma.local [hbm:s7], s21  }
0xa0: {  	_ =	swait.ge [sflag:s23], s21  }
0xa1: {  	s6 =	ssub.s32 $0x0, s21;
	[sflag:s23] =	ssyncset.done $0x0  }
0xa2: {  	[sflag:s23] =	ssyncadd.s32 s6;
	_ =	sdelay $0x1  }
0xa3: {  	s24 =	simm.s32 $0x1B8B  }
0xa4: {  	_ =	swait.ge [sflag:s24], $0x1  }
0xa5: {  	[sflag:s24] =	ssyncset.done $0x0  }
0xa6: {  	s25 =	simm.s32 $0x1B8E;
	[sflag:s24] =	ssyncadd.s32 $0xFFFFFFFF  }
0xa7: {  	s26 =	simm.s32 $execute0_lowered;
	[smem:$0x3FD2] =	sst s25  }
0xa8: {  	s6 =	sshll.u32 s26, $0x1;
	_ =	strace $0x80000046;
	[dreg:$0x1] =	wrdreg $0xFFFFFFFF  }
0xa9: {  	s28 =	simm.s32 $_size_execute0_lowered;
	s5 =	sadd.s32 s5, s6;
	[dreg:$0x0] =	wrdreg $0x0  }
0xaa: {  	s6 =	sshll.u32 s28, $0x1;
	[dreg:$0x2] =	wrdreg s5  }
0xab: {  	[dreg:$0x3] =	wrdreg s6  }
0xac: {  	[dreg:$0x4] =	wrdreg $0xC0  }
0xad: {  	_ =	task [dreg:s9], $0x5FFFF  }
0xae: {  	[dreg:$0x1] =	wrdreg $0xFFFFFFFF  }
0xaf: {  	[dreg:$0x0] =	wrdreg $0x60  }
0xb0: {  	[dreg:$0x2] =	wrdreg s2  }
0xb1: {  	[dreg:$0x3] =	wrdreg s19  }
0xb2: {  	[dreg:$0x4] =	wrdreg s4  }
0xb3: {  	[dreg:$0x5] =	wrdreg $0x9  }
0xb4: {  	_ =	task.clear_ibuf [dreg:s9], $0x6FFFF;
	_ =	strace $0x90000046  }
0xb5: {  	s29 =	simm.s32 $0x9;
	_ =	strace $0x80000048  }
0xb6: {  	_ =	swait.ge [sflag:s29], $0x1  }
0xb7: {  	[sflag:s29] =	ssyncadd.s32 $0xFFFFFFFF  }
0xb8: {  	_ =	strace $0x90000048  }
0xb9: {  	_ =	sfence  }
0xba: {  	s30 =	sld [smem:$0x0];
	_ =	sdelay $0x2  }
0xbb: {  	s31 =	sshll.u32 s1, $0xD;
	s1 =	sshrl.u32 s1, $0x2  }
0xbc: {  	s3 =	sand.u32 $0x4000, s31;
	s1 =	sadd.s32 s1, s30  }
0xbd: {  	s0 =	sor.u32 s3, s0;
	s1 =	sshll.u32 s1, $0x11  }
0xbe: {  	s0 =	sor.u32 s1, s0  }
0xbf: {  	s0 =	sadd.s32 $0x8F2B, s0  }
0xc0: {  	[sflag:s0] =	ssyncadd.remote.s32 $0x1  }
0xc1: {  	_ =	sfence.sel $0xFFFF  }
0xc2: {  	[dreg:$0x0] =	wrdreg $0xFFFFFFFF;
	(pc) =	sbr.abs _section_cstart, $3  }
0xc3: {  	[dreg:$0x1] =	wrdreg $0xFFFFFFFF  }
0xc4: {  	_ =	task.clear_ibuf [dreg:s9], $0x2FFFF;
	_ =	strace $0x9FFFFFFF  }
0xc5: {  	(tm) =	ssettm $0x7FFFFFFF  }
tec
execute0_lowered:
.L_overlay_start_1:
0x0: {  	(tag) =	ssettag $0x1  }
0x1: {  	s4 =	rddreg [dreg:$0x0]  }
0x2: {  	s1 =	rddreg [dreg:$0x1]  }
0x3: {  	s5 =	rddreg [dreg:$0x2];
	s3 =	simm.s32 $0x0;
	s6 =	srdreg.scid  }
0x4: {  	s0 =	stileid.u32;
	s12 =	simm.s32 $0xC800;
	s13 =	simm.s32 $0x190  }
0x5: {  	s14 =	simm.s32 $0x12C00;
	s15 =	simm.s32 $0x19000;
	s16 =	simm.s32 $0x1  }
0x6: {  	s17 =	simm.s32 $0x5;
	s18 =	simm.s32 $0x2;
	s19 =	simm.s32 $0x6  }
0x7: {  	s20 =	simm.s32 $0x3;
	s21 =	simm.s32 $0x7;
	s22 =	simm.s32 $0x4  }
0x8: {  	s23 =	simm.s32 $0x8;
	s24 =	simm.s32 $0x0;
	[smem:$0x7FF] =	sst s3  }
0x9: {  	s6 =	sand.u32 $0x1, s6;
	s9 =	sshrl.u32 s0, $0x2;
	s10 =	smul.u32 $0xC8000, s0  }
0xa: {  	s7 =	sshll.u32 s0, $0x8;
	s8 =	sshll.u32 s6, $0x7;
	s28 =	smul.u32 $0x32000, s9  }
0xb: {  	_ =	strace $0x80000047;
	s29 =	ssub.s32 $0x2, s6;
	s6 =	smul.u32 $0x64000, s6  }
0xc: {  	s9 =	simm.s32 $0x9;
	s7 =	sor.u32 s8, s7;
	s11 =	sshrl.u32 s29, $0x1  }
0xd: {  	s31 =	sadd.s32 s10, s5;
	s8 =	simm.s32 $0x400;
	s7 =	sand.u32 $0x380, s7  }
0xe: {  	s10 =	simm.s32 $0xC8;
	s30 =	ssub.s32 s29, s11;
	s7 =	sor.u32 s28, s7  }
0xf: {  	s6 =	sadd.s32 s6, s31;
	s11 =	simm.s32 $0x6400;
	s7 =	sshrl.u32 s7, $0x3  }
0x10: {  	s5 =	smax.u32 s30, $0x1;
	s4 =	sadd.s32 s4, s7;
	s7 =	simm.s32 $0x80  }
.LBB2_1:
0x11: {  	[tilespmem:s3], [sflag:$0x9] =	stream.strided.gather [hbm4b:s4+s7], $0x6400, s8, s7, $0x38;
	[tilespmem:$0x1F400] =	vst v63  }
0x12: {  	_ =	swait.ge [sflag:s9], $0x6400  }
0x13: {  	[sflag:s9] =	ssyncset.done $0x0  }
0x14: {  	[sflag:s9] =	ssyncadd.s32 $0xFFFF9C00  }
0x15: {  	[tilespmem:s11], [sflag:$0x1] =	stream.indirect.gather [hbm4b:s1+s10], $0x80, s3, s10, $0xb8;
	[tilespmem:$0x1F400] =	vst v63  }
0x16: {  	p0 =	por $0x1, $0x1  }
0x17: {  	[tilespmem:s12], [sflag:$0x2] =	stream.indirect.gather [hbm4b:s1+s10], $0x80, s10, s10, $0xb8;
	[tilespmem:$0x1F400] =	vst v63  }
0x18: {  	s25 =	simm.s32 @!p0 $0x8  }
0x19: {  	[tilespmem:s14], [sflag:$0x3] =	stream.indirect.gather [hbm4b:s1+s10], $0x80, s13, s10, $0xb8;
	[tilespmem:$0x1F400] =	vst v63  }
0x1a: {  	_ =	swait.ge @!p0 [sflag:s25], $0x6400  }
0x1b: {  	[sflag:s25] =	ssyncset.done @!p0 $0x0  }
0x1c: {  	s26 =	simm.s32 $0x258;
	[sflag:s25] =	ssyncadd.s32 @!p0 $0xFFFF9C00  }
0x1d: {  	[tilespmem:s15], [sflag:$0x4] =	stream.indirect.gather [hbm4b:s1+s10], $0x80, s26, s10, $0xb8;
	[tilespmem:$0x1F400] =	vst v63  }
0x1e: {  	_ =	swait.ge [sflag:s16], $0x6400  }
0x1f: {  	[sflag:s16] =	ssyncset.done $0x0  }
0x20: {  	[sflag:s16] =	ssyncadd.s32 $0xFFFF9C00  }
0x21: {  	[hbm4b:s6+s3] =	stream.linear.scatter [tilespmem:s11], [sflag:$0x5], $0x6400, $0x38;
	[tilespmem:$0x1F400] =	vst v63  }
0x22: {  	p0 =	por $0x0, $0x0;
	_ =	swait.ge [sflag:s17], $0x6400  }
0x23: {  	s25 =	simm.s32 @!p0 $0x6400;
	[sflag:s17] =	ssyncset.done $0x0  }
0x24: {  	s26 =	simm.s32 @!p0 $0x320;
	s28 =	simm.s32 @!p0 $0xC8;
	[sflag:s17] =	ssyncadd.s32 $0xFFFF9C00  }
0x25: {  	[tilespmem:s25], [sflag:$0x1] =	stream.indirect.gather @!p0 [hbm4b:s1+s28], $0x80, s26, s28, $0xb8;
	[tilespmem:$0x1F400] =	vst v63  }
0x26: {  	_ =	swait.ge [sflag:s18], $0x6400  }
0x27: {  	[sflag:s18] =	ssyncset.done $0x0  }
0x28: {  	s29 =	sadd.s32 $0xC80, s6;
	[sflag:s18] =	ssyncadd.s32 $0xFFFF9C00  }
0x29: {  	[hbm4b:s29+s3] =	stream.linear.scatter [tilespmem:s12], [sflag:$0x6], $0x6400, $0x38;
	[tilespmem:$0x1F400] =	vst v63  }
0x2a: {  	_ =	swait.ge [sflag:s19], $0x6400  }
0x2b: {  	[sflag:s19] =	ssyncset.done $0x0  }
0x2c: {  	s25 =	simm.s32 @!p0 $0x3E8;
	s26 =	simm.s32 @!p0 $0xC800;
	[sflag:s19] =	ssyncadd.s32 $0xFFFF9C00  }
0x2d: {  	[tilespmem:s26], [sflag:$0x2] =	stream.indirect.gather @!p0 [hbm4b:s1+s28], $0x80, s25, s28, $0xb8;
	[tilespmem:$0x1F400] =	vst v63  }
0x2e: {  	_ =	swait.ge [sflag:s20], $0x6400  }
0x2f: {  	[sflag:s20] =	ssyncset.done $0x0  }
0x30: {  	s31 =	sadd.s32 $0x1900, s6;
	[sflag:s20] =	ssyncadd.s32 $0xFFFF9C00  }
0x31: {  	[hbm4b:s31+s3] =	stream.linear.scatter [tilespmem:s14], [sflag:$0x7], $0x6400, $0x38;
	[tilespmem:$0x1F400] =	vst v63  }
0x32: {  	_ =	swait.ge [sflag:s21], $0x6400  }
0x33: {  	p1 =	por $0x0, $0x0;
	[sflag:s21] =	ssyncset.done $0x0  }
0x34: {  	s29 =	simm.s32 @!p0 $0x12C00;
	s25 =	simm.s32 @!p0 $0x4B0;
	[sflag:s21] =	ssyncadd.s32 $0xFFFF9C00  }
0x35: {  	[tilespmem:s29], [sflag:$0x3] =	stream.indirect.gather @!p0 [hbm4b:s1+s28], $0x80, s25, s28, $0xb8;
	[tilespmem:$0x1F400] =	vst v63  }
0x36: {  	s30 =	sadd.s32 $0x2580, s6;
	s26 =	simm.s32 $0xC80;
	_ =	swait.ge [sflag:s22], $0x6400  }
0x37: {  	s28 =	simm.s32 $0x1900;
	s25 =	sadd.s32 $0x3200, s6;
	[sflag:s22] =	ssyncset.done $0x0  }
.LBB2_2:
0x38: {  	s31 =	simm.s32 @!p1 $0x8;
	[sflag:s22] =	ssyncadd.s32 $0xFFFF9C00  }
0x39: {  	s0 =	smov.u32 s28;
	s28 =	sadd.s32 $0xC80, s28;
	s29 =	smov.u32 s25  }
0x3a: {  	[hbm4b:s30+s3] =	stream.linear.scatter [tilespmem:s15], [sflag:$0x8], $0x6400, $0x38;
	[tilespmem:$0x1F400] =	vst v63  }
0x3b: {  	p0 =	sne.s32 s28, $0x19000;
	_ =	swait.ge @!p1 [sflag:s31], $0x6400  }
0x3c: {  	s30 =	sshra.s32 s26, $0x2;
	[sflag:s31] =	ssyncset.done @!p1 $0x0  }
0x3d: {  	s30 =	sadd.s32 $0x258, s30;
	[sflag:s31] =	ssyncadd.s32 @!p1 $0xFFFF9C00  }
0x3e: {  	[tilespmem:s15], [sflag:$0x4] =	stream.indirect.gather [hbm4b:s1+s10], $0x80, s30, s10, $0xb8;
	[tilespmem:$0x1F400] =	vst v63  }
0x3f: {  	_ =	swait.ge [sflag:s16], $0x6400  }
0x40: {  	[sflag:s16] =	ssyncset.done $0x0  }
0x41: {  	[sflag:s16] =	ssyncadd.s32 $0xFFFF9C00  }
0x42: {  	[hbm4b:s25+s3] =	stream.linear.scatter [tilespmem:s11], [sflag:$0x5], $0x6400, $0x38;
	[tilespmem:$0x1F400] =	vst v63  }
0x43: {  	p1 =	seq.s32 s26, $0x18380;
	_ =	swait.ge [sflag:s17], $0x6400  }
0x44: {  	s26 =	sshra.s32 @!p1 s26, $0x2;
	s30 =	simm.s32 @!p1 $0x6400;
	[sflag:s17] =	ssyncset.done $0x0  }
0x45: {  	s2 =	simm.s32 @!p1 $0xC8;
	s31 =	sadd.s32 @!p1 $0x320, s26;
	[sflag:s17] =	ssyncadd.s32 $0xFFFF9C00  }
0x46: {  	[tilespmem:s30], [sflag:$0x1] =	stream.indirect.gather @!p1 [hbm4b:s1+s2], $0x80, s31, s2, $0xb8;
	[tilespmem:$0x1F400] =	vst v63  }
0x47: {  	s30 =	sadd.s32 @!p1 $0x3E8, s26;
	s31 =	sadd.s32 @!p1 $0x4B0, s26;
	_ =	swait.ge [sflag:s18], $0x6400  }
0x48: {  	s26 =	smov.u32 s0;
	[sflag:s18] =	ssyncset.done $0x0  }
0x49: {  	s0 =	sadd.s32 $0xC80, s25;
	[sflag:s18] =	ssyncadd.s32 $0xFFFF9C00  }
0x4a: {  	[hbm4b:s0+s3] =	stream.linear.scatter [tilespmem:s12], [sflag:$0x6], $0x6400, $0x38;
	[tilespmem:$0x1F400] =	vst v63  }
0x4b: {  	_ =	swait.ge [sflag:s19], $0x6400  }
0x4c: {  	[sflag:s19] =	ssyncset.done $0x0  }
0x4d: {  	s0 =	simm.s32 @!p1 $0xC800;
	[sflag:s19] =	ssyncadd.s32 $0xFFFF9C00  }
0x4e: {  	[tilespmem:s0], [sflag:$0x2] =	stream.indirect.gather @!p1 [hbm4b:s1+s2], $0x80, s30, s2, $0xb8;
	[tilespmem:$0x1F400] =	vst v63  }
0x4f: {  	_ =	swait.ge [sflag:s20], $0x6400  }
0x50: {  	[sflag:s20] =	ssyncset.done $0x0  }
0x51: {  	s0 =	sadd.s32 $0x1900, s25;
	[sflag:s20] =	ssyncadd.s32 $0xFFFF9C00  }
0x52: {  	[hbm4b:s0+s3] =	stream.linear.scatter [tilespmem:s14], [sflag:$0x7], $0x6400, $0x38;
	[tilespmem:$0x1F400] =	vst v63  }
0x53: {  	_ =	swait.ge [sflag:s21], $0x6400  }
.Ltmp0:
0x54: {  	[sflag:s21] =	ssyncset.done $0x0;
	(pc) =	sbr.rel @p0 .LBB2_2-.Ltmp0, $4  }
0x55: {  	s0 =	simm.s32 @!p1 $0x12C00;
	[sflag:s21] =	ssyncadd.s32 $0xFFFF9C00  }
0x56: {  	[tilespmem:s0], [sflag:$0x3] =	stream.indirect.gather @!p1 [hbm4b:s1+s2], $0x80, s31, s2, $0xb8;
	[tilespmem:$0x1F400] =	vst v63  }
0x57: {  	s25 =	sadd.s32 $0x3200, s25;
	_ =	swait.ge [sflag:s22], $0x6400  }
0x58: {  	s30 =	sadd.s32 $0x2580, s29;
	p1 =	seq.s32 s26, $0x0;
	[sflag:s22] =	ssyncset.done $0x0  }
0x59: {  	s0 =	simm.s32 @!p1 $0x8;
	[sflag:s22] =	ssyncadd.s32 $0xFFFF9C00  }
0x5a: {  	[hbm4b:s30+s3] =	stream.linear.scatter [tilespmem:s15], [sflag:$0x8], $0x6400, $0x38;
	[tilespmem:$0x1F400] =	vst v63  }
0x5b: {  	_ =	swait.ge @!p1 [sflag:s0], $0x6400  }
0x5c: {  	s2 =	sshra.s32 s26, $0x2;
	[sflag:s0] =	ssyncset.done @!p1 $0x0  }
0x5d: {  	s28 =	sadd.s32 $0x258, s2;
	[sflag:s0] =	ssyncadd.s32 @!p1 $0xFFFF9C00  }
0x5e: {  	[tilespmem:s15], [sflag:$0x4] =	stream.indirect.gather [hbm4b:s1+s10], $0x80, s28, s10, $0xb8;
	[tilespmem:$0x1F400] =	vst v63  }
0x5f: {  	_ =	swait.ge [sflag:s16], $0x6400  }
0x60: {  	[sflag:s16] =	ssyncset.done $0x0  }
0x61: {  	[sflag:s16] =	ssyncadd.s32 $0xFFFF9C00  }
0x62: {  	[hbm4b:s25+s3] =	stream.linear.scatter [tilespmem:s11], [sflag:$0x5], $0x6400, $0x38;
	[tilespmem:$0x1F400] =	vst v63  }
0x63: {  	p0 =	seq.s32 s26, $0x18380;
	_ =	swait.ge [sflag:s17], $0x6400  }
0x64: {  	s2 =	simm.s32 @!p0 $0x6400;
	s0 =	sshra.s32 @!p0 s26, $0x2;
	[sflag:s17] =	ssyncset.done $0x0  }
0x65: {  	s26 =	sadd.s32 @!p0 $0x320, s0;
	s28 =	simm.s32 @!p0 $0xC8;
	[sflag:s17] =	ssyncadd.s32 $0xFFFF9C00  }
0x66: {  	[tilespmem:s2], [sflag:$0x1] =	stream.indirect.gather @!p0 [hbm4b:s1+s28], $0x80, s26, s28, $0xb8;
	[tilespmem:$0x1F400] =	vst v63  }
0x67: {  	_ =	swait.ge [sflag:s18], $0x6400  }
0x68: {  	[sflag:s18] =	ssyncset.done $0x0  }
0x69: {  	s29 =	sadd.s32 $0xC80, s25;
	[sflag:s18] =	ssyncadd.s32 $0xFFFF9C00  }
0x6a: {  	[hbm4b:s29+s3] =	stream.linear.scatter [tilespmem:s12], [sflag:$0x6], $0x6400, $0x38;
	[tilespmem:$0x1F400] =	vst v63  }
0x6b: {  	_ =	swait.ge [sflag:s19], $0x6400  }
0x6c: {  	[sflag:s19] =	ssyncset.done $0x0  }
0x6d: {  	s2 =	sadd.s32 @!p0 $0x3E8, s0;
	s26 =	simm.s32 @!p0 $0xC800;
	[sflag:s19] =	ssyncadd.s32 $0xFFFF9C00  }
0x6e: {  	[tilespmem:s26], [sflag:$0x2] =	stream.indirect.gather @!p0 [hbm4b:s1+s28], $0x80, s2, s28, $0xb8;
	[tilespmem:$0x1F400] =	vst v63  }
0x6f: {  	_ =	swait.ge [sflag:s20], $0x6400  }
0x70: {  	[sflag:s20] =	ssyncset.done $0x0  }
0x71: {  	s30 =	sadd.s32 $0x1900, s25;
	[sflag:s20] =	ssyncadd.s32 $0xFFFF9C00  }
0x72: {  	[hbm4b:s30+s3] =	stream.linear.scatter [tilespmem:s14], [sflag:$0x7], $0x6400, $0x38;
	[tilespmem:$0x1F400] =	vst v63  }
0x73: {  	_ =	swait.ge [sflag:s21], $0x6400  }
0x74: {  	[sflag:s21] =	ssyncset.done $0x0  }
0x75: {  	s0 =	sadd.s32 @!p0 $0x4B0, s0;
	s2 =	simm.s32 @!p0 $0x12C00;
	[sflag:s21] =	ssyncadd.s32 $0xFFFF9C00  }
0x76: {  	[tilespmem:s2], [sflag:$0x3] =	stream.indirect.gather @!p0 [hbm4b:s1+s28], $0x80, s0, s28, $0xb8;
	[tilespmem:$0x1F400] =	vst v63  }
0x77: {  	s24 =	sadd.s32 $0x1, s24;
	_ =	swait.ge [sflag:s22], $0x6400  }
0x78: {  	p0 =	sne.s32 s24, s5;
	[sflag:s22] =	ssyncset.done $0x0  }
.Ltmp1:
0x79: {  	s31 =	sadd.s32 $0x2580, s25;
	[sflag:s22] =	ssyncadd.s32 $0xFFFF9C00;
	(pc) =	sbr.rel @p0 .LBB2_1-.Ltmp1, $4  }
0x7a: {  	[hbm4b:s31+s3] =	stream.linear.scatter [tilespmem:s15], [sflag:$0x8], $0x6400, $0x38;
	[tilespmem:$0x1F400] =	vst v63  }
0x7b: {  	_ =	swait.ge [sflag:s23], $0x6400  }
0x7c: {  	[sflag:s23] =	ssyncset.done $0x0  }
0x7d: {  	[sflag:s23] =	ssyncadd.s32 $0xFFFF9C00  }
0x7e: {  	_ =	sfence.sel $0x180000  }
0x7f: {  	[bflag:$0x0] =	sbarrier.arrive $0xFFFF  }
0x80: {  	_ =	strace $0x90000047  }
0x81: {  	s0 =	stileid.u32;
	[bflag:$0x2] =	sbarrier.arrive $0xFFFF  }
0x82: {  	p0 =	sne.s32 s0, $0x0;
	s0 =	rddreg [dreg:$0x3]  }
0x83: {  	s0 =	sadd.s32 @!p0 $0x100000, s0  }
0x84: {  	[sflag:s0] =	ssyncadd.tile.s32 @!p0 $0x1;
	_ =	shalt  }
.Lfunc_end2:
_tile_overlayer_lowered:
.L_overlay_start_2:
0x85: {  	(tag) =	ssettag $0x2  }
0x86: {  	s0 =	rddreg [dreg:$0x0];
	s2 =	stileid.u32  }
0x87: {  	s1 =	rddreg [dreg:$0x1];
	p0 =	sne.s32 s2, $0x0  }
0x88: {  	s3 =	rddreg [dreg:$0x2];
	[bflag:$0x3] =	sbarrier.arrive $0xFFFF;
	s2 =	simm.s32 @!p0 $0x1C09  }
0x89: {  	[timem:s3], [sflag:s2] =	dma.local @!p0 [hbm:s0], s1  }
0x8a: {  	s0 =	simm.s32 @!p0 $0x9  }
0x8b: {  	_ =	swait.ge @!p0 [sflag:s0], s1  }
0x8c: {  	s1 =	ssub.s32 @!p0 $0x0, s1;
	[sflag:s0] =	ssyncset.done @!p0 $0x0  }
0x8d: {  	[sflag:s0] =	ssyncadd.s32 @!p0 s1  }
0x8e: {  	[bflag:$0x3] =	sbarrier.arrive $0xFFFF  }
0x8f: {  	_ =	shalt  }

</sc_bundles>
